<compile_context>
chip_gen: v7x
topology: tpu7x:2x2x1
jax: 0.10.2.dev20260603
libtpu: 0.0.44.dev20260713+nightly
codegen_flags: <defaults>
</compile_context>

<pallas_src>
import functools

import jax
import jax.numpy as jnp
from jax import lax
from jax.experimental import pallas as pl
from jax.experimental.pallas import tpu as pltpu
from jax.experimental.pallas import tpu_sc as plsc

B = 16384
RD = 14
CD = 64
F = 4

TC_BLK = 8192
TC_GRID = B // TC_BLK


def _tc_dense(xt_ref, w_ref, b_ref, ids_ref, y_ref, idx_ref):
    i = pl.program_id(0)
    y = lax.dot_general(xt_ref[...], w_ref[...],
                        dimension_numbers=(((0,), (0,)), ((), ())),
                        preferred_element_type=jnp.float32)
    bias = b_ref[...]
    y_ref[0] = y[:, :128] + bias[:, :128]
    y_ref[1] = y[:, 128:] + bias[:, 128:]
    ids = ids_ref[...]
    rows = TC_BLK // 128
    t = (i * TC_BLK
         + lax.broadcasted_iota(jnp.int32, (rows, 128), 0) * 128
         + lax.broadcasted_iota(jnp.int32, (rows, 128), 1))
    idx_ref[...] = (ids >> 1) * (2 * B) + 2 * t + (ids & 1)


TP_BLK = 4096
TP_GRID = (B // 2) // TP_BLK


def _tc_out(rs_ref, o_ref):
    x = rs_ref[...]
    xt = x.T
    for k in range(TP_BLK // 256):
        o_ref[:, 512 * k:512 * k + 256] = xt[:CD, 256 * k:256 * k + 256]
        o_ref[:, 512 * k + 256:512 * k + 512] = xt[CD:, 256 * k:256 * k + 256]


NC = 2
NS = 16
L = 16
NW = NC * NS
CHUNK = B // NW
SEG = 128
NSEG = CHUNK // SEG


def _sc_route(yall_hbm, idx_hbm, out_hbm, idx_v, rows_v, sem):
    wid = lax.axis_index("s") * NC + lax.axis_index("c")
    base = wid * CHUNK
    pltpu.sync_copy(idx_hbm.at[pl.ds(base, CHUNK)], idx_v)
    copies = [
        pltpu.async_copy(yall_hbm.at[idx_v.at[pl.ds(s * SEG, SEG)]],
                         rows_v.at[pl.ds(s * SEG, SEG)], sem)
        for s in range(NSEG)
    ]
    for c in copies:
        c.wait()
    half = CHUNK // 2
    pltpu.sync_copy(rows_v.at[pl.ds(0, half)],
                    out_hbm.at[pl.ds(wid * half, half), pl.ds(0, CD)])
    pltpu.sync_copy(rows_v.at[pl.ds(half, half)],
                    out_hbm.at[pl.ds(wid * half, half), pl.ds(CD, CD)])


def kernel(relation_logits, frame_type_ids, W, b):
    wall = W.transpose(0, 2, 1).transpose(1, 0, 2).reshape(RD, F * CD)
    ball = b.reshape(1, F * CD)
    xt = relation_logits.T

    ids2d = frame_type_ids.reshape(B // 128, 128)

    yall, idx2d = pl.pallas_call(
        _tc_dense,
        grid=(TC_GRID,),
        in_specs=[
            pl.BlockSpec((RD, TC_BLK), lambda i: (0, i)),
            pl.BlockSpec((RD, F * CD), lambda i: (0, 0)),
            pl.BlockSpec((1, F * CD), lambda i: (0, 0)),
            pl.BlockSpec((TC_BLK // 128, 128), lambda i: (i, 0)),
        ],
        out_specs=[
            pl.BlockSpec((2, TC_BLK, 2 * CD), lambda i: (0, i, 0)),
            pl.BlockSpec((TC_BLK // 128, 128), lambda i: (i, 0)),
        ],
        out_shape=[
            jax.ShapeDtypeStruct((2, B, 2 * CD), jnp.float32),
            jax.ShapeDtypeStruct((B // 128, 128), jnp.int32),
        ],
    )(xt, wall, ball, ids2d)

    yall_rows = yall.reshape(F * B, CD)
    idx_flat = idx2d.reshape(B)

    sc_call = functools.partial(
        pl.kernel,
        mesh=plsc.VectorSubcoreMesh(core_axis_name="c", subcore_axis_name="s"),
        compiler_params=pltpu.CompilerParams(use_tc_tiling_on_sc=False),
        out_type=jax.ShapeDtypeStruct((B // 2, 2 * CD), jnp.float32),
        scratch_types=[
            pltpu.VMEM((CHUNK,), jnp.int32),
            pltpu.VMEM((CHUNK, CD), jnp.float32),
            pltpu.SemaphoreType.DMA,
        ],
    )(_sc_route)
    rs = sc_call(yall_rows, idx_flat)
    outT = pl.pallas_call(
        _tc_out,
        grid=(TP_GRID,),
        in_specs=[pl.BlockSpec((TP_BLK, 2 * CD), lambda i: (i, 0))],
        out_specs=pl.BlockSpec((CD, 2 * TP_BLK), lambda i: (0, i)),
        out_shape=jax.ShapeDtypeStruct((CD, B), jnp.float32),
    )(rs)
    return outT.T

# --- scband reference (transcript-rebuilt; emitter-appended) ---
"""Pipeline reference for scband-frame-canonical-projection-59957743452495 (READ-ONLY COPY).

The authoritative reference and input builder live on the scoring server;
editing this copy changes nothing except your own understanding.
"""

import jax, jax.numpy as jnp
import numpy as np

B = 16384
RD = 14
CD = 64
F = 4  # number of frame types: camera, person, object, world


def setup_inputs(seed: int = 0) -> dict:
    key = jax.random.key(seed)
    k1, k2, k3, k4 = jax.random.split(key, 4)
    relation_logits = jax.random.normal(k1, (B, RD), dtype=jnp.float32)
    frame_type_ids = jax.random.randint(k2, (B,), 0, F, dtype=jnp.int32)
    # Stacked per-frame Linear params: W[f] is (canonical_dim, relation_dim), b[f] is (canonical_dim,)
    bound = 1.0 / np.sqrt(RD)
    W = jax.random.uniform(k3, (F, CD, RD), dtype=jnp.float32, minval=-bound, maxval=bound)
    b = jax.random.uniform(k4, (F, CD), dtype=jnp.float32, minval=-bound, maxval=bound)
    return {"relation_logits": relation_logits, "frame_type_ids": frame_type_ids, "W": W, "b": b}


def reference(relation_logits, frame_type_ids, W, b):
    # Equivalent to: for each frame type f, projected[ids==f] = relation_logits[ids==f] @ W[f].T + b[f]
    # Implemented as a per-token gather of the expert weight matrix followed by a batched matvec.
    Wsel = jnp.take(W, frame_type_ids, axis=0)  # (B, CD, RD)
    bsel = jnp.take(b, frame_type_ids, axis=0)  # (B, CD)
    projected = jnp.einsum('bod,bd->bo', Wsel, relation_logits) + bsel
    return projected

if __name__ == "__main__":
    import jax
    _d = setup_inputs()
    print(jax.jit(kernel)(*tuple(_d.values())))

</pallas_src>

<mosaic_0001>
#map = affine_map<(d0, d1) -> (0, 0)>
#map1 = affine_map<(d0, d1) -> (0)>
module attributes {stable_mosaic.version = 14 : i64} {
  func.func @_sc_route(%arg0: i32, %arg1: i32, %arg2: memref<65536x64xf32, #tpu.memory_space<hbm>>, %arg3: memref<16384xi32, #tpu.memory_space<hbm>>, %arg4: memref<8192x128xf32, #tpu.memory_space<hbm>>, %arg5: memref<512xi32, #tpu.memory_space<vmem>>, %arg6: memref<512x64xf32, #tpu.memory_space<vmem>>, %arg7: memref<!tpu.dma_semaphore, #tpu.memory_space<semaphore_mem>>) attributes {dimension_semantics = [#tpu.dimension_semantics<core_parallel>, #tpu.dimension_semantics<subcore_parallel>], iteration_bounds = array<i64: 2, 16>, scalar_prefetch = 0 : i64, scratch_operands = 3 : i64, tpu.core_type = #tpu.core_type<sc_vector_subcore>, window_params = [{transform_indices = #map}, {transform_indices = #map1}, {transform_indices = #map}]} {
    %mul3A = arith.constant 2 : i32
    %mul3A_0 = arith.muli %arg1, %mul3A : i32
    %add3A = arith.addi %mul3A_0, %arg0 : i32
    %mul3A_1 = arith.constant 512 : i32
    %mul3A_2 = arith.muli %add3A, %mul3A_1 : i32
    "tpu.region"() ({
      %run_scoped3A = tpu.sem_alloc : memref<!tpu.dma_semaphore, #tpu.memory_space<semaphore_mem>>
      %dma_start3A_69 = tpu.memref_slice %arg3[%mul3A_2] : memref<16384xi32, #tpu.memory_space<hbm>> -> memref<512xi32, #tpu.memory_space<hbm>>
      %dma_start3A_70 = tpu.memref_slice %arg3[%mul3A_2] : memref<16384xi32, #tpu.memory_space<hbm>> -> memref<512xi32, #tpu.memory_space<hbm>>
      tpu.enqueue_dma source(%dma_start3A_70 : memref<512xi32, #tpu.memory_space<hbm>>) target(%arg5 : memref<512xi32, #tpu.memory_space<vmem>>) target_semaphore(%run_scoped3A : memref<!tpu.dma_semaphore, #tpu.memory_space<semaphore_mem>>)
      %dma_wait3A_71 = tpu.memref_slice %arg3[%mul3A_2] : memref<16384xi32, #tpu.memory_space<hbm>> -> memref<512xi32, #tpu.memory_space<hbm>>
      %dma_wait3A_72 = tpu.memref_slice %arg3[%mul3A_2] : memref<16384xi32, #tpu.memory_space<hbm>> -> memref<512xi32, #tpu.memory_space<hbm>>
      tpu.wait_dma2 semaphore(%run_scoped3A : memref<!tpu.dma_semaphore, #tpu.memory_space<semaphore_mem>>) src(%dma_wait3A_72 : memref<512xi32, #tpu.memory_space<hbm>>) dst(%arg5 : memref<512xi32, #tpu.memory_space<vmem>>)
      tpu.yield
    }) : () -> ()
    %dma_start3A = arith.constant 0 : i32
    %dma_start3A_3 = arith.constant 0 : i32
    %dma_start3A_4 = tpu.memref_slice %arg6[%dma_start3A, %dma_start3A_3] : memref<512x64xf32, #tpu.memory_space<vmem>> -> memref<128x64xf32, #tpu.memory_space<vmem>>
    %dma_start3A_5 = arith.constant 0 : i32
    %dma_start3A_6 = tpu.memref_slice %arg5[%dma_start3A_5] : memref<512xi32, #tpu.memory_space<vmem>> -> memref<128xi32, #tpu.memory_space<vmem>>
    %dma_start3A_7 = arith.constant 0 : i32
    %dma_start3A_8 = arith.constant 0 : i32
    %dma_start3A_9 = tpu.memref_slice %arg2[%dma_start3A_7, %dma_start3A_8] : memref<65536x64xf32, #tpu.memory_space<hbm>> -> memref<65536x64xf32, #tpu.memory_space<hbm>>
    tpu.enqueue_indirect_dma source(%dma_start3A_9 : memref<65536x64xf32, #tpu.memory_space<hbm>>) target(%dma_start3A_4 : memref<128x64xf32, #tpu.memory_space<vmem>>) offsets(%dma_start3A_6 : memref<128xi32, #tpu.memory_space<vmem>>) semaphore(%arg7 : memref<!tpu.dma_semaphore, #tpu.memory_space<semaphore_mem>>)
    %dma_start3A_10 = arith.constant 128 : i32
    %dma_start3A_11 = arith.constant 0 : i32
    %dma_start3A_12 = tpu.memref_slice %arg6[%dma_start3A_10, %dma_start3A_11] : memref<512x64xf32, #tpu.memory_space<vmem>> -> memref<128x64xf32, #tpu.memory_space<vmem>>
    %dma_start3A_13 = arith.constant 128 : i32
    %dma_start3A_14 = tpu.memref_slice %arg5[%dma_start3A_13] : memref<512xi32, #tpu.memory_space<vmem>> -> memref<128xi32, #tpu.memory_space<vmem>>
    %dma_start3A_15 = arith.constant 0 : i32
    %dma_start3A_16 = arith.constant 0 : i32
    %dma_start3A_17 = tpu.memref_slice %arg2[%dma_start3A_15, %dma_start3A_16] : memref<65536x64xf32, #tpu.memory_space<hbm>> -> memref<65536x64xf32, #tpu.memory_space<hbm>>
    tpu.enqueue_indirect_dma source(%dma_start3A_17 : memref<65536x64xf32, #tpu.memory_space<hbm>>) target(%dma_start3A_12 : memref<128x64xf32, #tpu.memory_space<vmem>>) offsets(%dma_start3A_14 : memref<128xi32, #tpu.memory_space<vmem>>) semaphore(%arg7 : memref<!tpu.dma_semaphore, #tpu.memory_space<semaphore_mem>>)
    %dma_start3A_18 = arith.constant 256 : i32
    %dma_start3A_19 = arith.constant 0 : i32
    %dma_start3A_20 = tpu.memref_slice %arg6[%dma_start3A_18, %dma_start3A_19] : memref<512x64xf32, #tpu.memory_space<vmem>> -> memref<128x64xf32, #tpu.memory_space<vmem>>
    %dma_start3A_21 = arith.constant 256 : i32
    %dma_start3A_22 = tpu.memref_slice %arg5[%dma_start3A_21] : memref<512xi32, #tpu.memory_space<vmem>> -> memref<128xi32, #tpu.memory_space<vmem>>
    %dma_start3A_23 = arith.constant 0 : i32
    %dma_start3A_24 = arith.constant 0 : i32
    %dma_start3A_25 = tpu.memref_slice %arg2[%dma_start3A_23, %dma_start3A_24] : memref<65536x64xf32, #tpu.memory_space<hbm>> -> memref<65536x64xf32, #tpu.memory_space<hbm>>
    tpu.enqueue_indirect_dma source(%dma_start3A_25 : memref<65536x64xf32, #tpu.memory_space<hbm>>) target(%dma_start3A_20 : memref<128x64xf32, #tpu.memory_space<vmem>>) offsets(%dma_start3A_22 : memref<128xi32, #tpu.memory_space<vmem>>) semaphore(%arg7 : memref<!tpu.dma_semaphore, #tpu.memory_space<semaphore_mem>>)
    %dma_start3A_26 = arith.constant 384 : i32
    %dma_start3A_27 = arith.constant 0 : i32
    %dma_start3A_28 = tpu.memref_slice %arg6[%dma_start3A_26, %dma_start3A_27] : memref<512x64xf32, #tpu.memory_space<vmem>> -> memref<128x64xf32, #tpu.memory_space<vmem>>
    %dma_start3A_29 = arith.constant 384 : i32
    %dma_start3A_30 = tpu.memref_slice %arg5[%dma_start3A_29] : memref<512xi32, #tpu.memory_space<vmem>> -> memref<128xi32, #tpu.memory_space<vmem>>
    %dma_start3A_31 = arith.constant 0 : i32
    %dma_start3A_32 = arith.constant 0 : i32
    %dma_start3A_33 = tpu.memref_slice %arg2[%dma_start3A_31, %dma_start3A_32] : memref<65536x64xf32, #tpu.memory_space<hbm>> -> memref<65536x64xf32, #tpu.memory_space<hbm>>
    tpu.enqueue_indirect_dma source(%dma_start3A_33 : memref<65536x64xf32, #tpu.memory_space<hbm>>) target(%dma_start3A_28 : memref<128x64xf32, #tpu.memory_space<vmem>>) offsets(%dma_start3A_30 : memref<128xi32, #tpu.memory_space<vmem>>) semaphore(%arg7 : memref<!tpu.dma_semaphore, #tpu.memory_space<semaphore_mem>>)
    %dma_wait3A = arith.constant 0 : i32
    %dma_wait3A_34 = arith.constant 0 : i32
    %dma_wait3A_35 = tpu.memref_slice %arg6[%dma_wait3A, %dma_wait3A_34] : memref<512x64xf32, #tpu.memory_space<vmem>> -> memref<128x64xf32, #tpu.memory_space<vmem>>
    %dma_wait3A_36 = arith.constant 0 : i32
    %dma_wait3A_37 = tpu.memref_slice %arg5[%dma_wait3A_36] : memref<512xi32, #tpu.memory_space<vmem>> -> memref<128xi32, #tpu.memory_space<vmem>>
    %dma_wait3A_38 = arith.constant 0 : i32
    %dma_wait3A_39 = arith.constant 0 : i32
    %dma_wait3A_40 = tpu.memref_slice %arg2[%dma_wait3A_38, %dma_wait3A_39] : memref<65536x64xf32, #tpu.memory_space<hbm>> -> memref<65536x64xf32, #tpu.memory_space<hbm>>
    tpu.wait_indirect_dma semaphore(%arg7 : memref<!tpu.dma_semaphore, #tpu.memory_space<semaphore_mem>>) src(%dma_wait3A_40 : memref<65536x64xf32, #tpu.memory_space<hbm>>) dst(%dma_wait3A_35 : memref<128x64xf32, #tpu.memory_space<vmem>>)
    %dma_wait3A_41 = arith.constant 128 : i32
    %dma_wait3A_42 = arith.constant 0 : i32
    %dma_wait3A_43 = tpu.memref_slice %arg6[%dma_wait3A_41, %dma_wait3A_42] : memref<512x64xf32, #tpu.memory_space<vmem>> -> memref<128x64xf32, #tpu.memory_space<vmem>>
    %dma_wait3A_44 = arith.constant 128 : i32
    %dma_wait3A_45 = tpu.memref_slice %arg5[%dma_wait3A_44] : memref<512xi32, #tpu.memory_space<vmem>> -> memref<128xi32, #tpu.memory_space<vmem>>
    %dma_wait3A_46 = arith.constant 0 : i32
    %dma_wait3A_47 = arith.constant 0 : i32
    %dma_wait3A_48 = tpu.memref_slice %arg2[%dma_wait3A_46, %dma_wait3A_47] : memref<65536x64xf32, #tpu.memory_space<hbm>> -> memref<65536x64xf32, #tpu.memory_space<hbm>>
    tpu.wait_indirect_dma semaphore(%arg7 : memref<!tpu.dma_semaphore, #tpu.memory_space<semaphore_mem>>) src(%dma_wait3A_48 : memref<65536x64xf32, #tpu.memory_space<hbm>>) dst(%dma_wait3A_43 : memref<128x64xf32, #tpu.memory_space<vmem>>)
    %dma_wait3A_49 = arith.constant 256 : i32
    %dma_wait3A_50 = arith.constant 0 : i32
    %dma_wait3A_51 = tpu.memref_slice %arg6[%dma_wait3A_49, %dma_wait3A_50] : memref<512x64xf32, #tpu.memory_space<vmem>> -> memref<128x64xf32, #tpu.memory_space<vmem>>
    %dma_wait3A_52 = arith.constant 256 : i32
    %dma_wait3A_53 = tpu.memref_slice %arg5[%dma_wait3A_52] : memref<512xi32, #tpu.memory_space<vmem>> -> memref<128xi32, #tpu.memory_space<vmem>>
    %dma_wait3A_54 = arith.constant 0 : i32
    %dma_wait3A_55 = arith.constant 0 : i32
    %dma_wait3A_56 = tpu.memref_slice %arg2[%dma_wait3A_54, %dma_wait3A_55] : memref<65536x64xf32, #tpu.memory_space<hbm>> -> memref<65536x64xf32, #tpu.memory_space<hbm>>
    tpu.wait_indirect_dma semaphore(%arg7 : memref<!tpu.dma_semaphore, #tpu.memory_space<semaphore_mem>>) src(%dma_wait3A_56 : memref<65536x64xf32, #tpu.memory_space<hbm>>) dst(%dma_wait3A_51 : memref<128x64xf32, #tpu.memory_space<vmem>>)
    %dma_wait3A_57 = arith.constant 384 : i32
    %dma_wait3A_58 = arith.constant 0 : i32
    %dma_wait3A_59 = tpu.memref_slice %arg6[%dma_wait3A_57, %dma_wait3A_58] : memref<512x64xf32, #tpu.memory_space<vmem>> -> memref<128x64xf32, #tpu.memory_space<vmem>>
    %dma_wait3A_60 = arith.constant 384 : i32
    %dma_wait3A_61 = tpu.memref_slice %arg5[%dma_wait3A_60] : memref<512xi32, #tpu.memory_space<vmem>> -> memref<128xi32, #tpu.memory_space<vmem>>
    %dma_wait3A_62 = arith.constant 0 : i32
    %dma_wait3A_63 = arith.constant 0 : i32
    %dma_wait3A_64 = tpu.memref_slice %arg2[%dma_wait3A_62, %dma_wait3A_63] : memref<65536x64xf32, #tpu.memory_space<hbm>> -> memref<65536x64xf32, #tpu.memory_space<hbm>>
    tpu.wait_indirect_dma semaphore(%arg7 : memref<!tpu.dma_semaphore, #tpu.memory_space<semaphore_mem>>) src(%dma_wait3A_64 : memref<65536x64xf32, #tpu.memory_space<hbm>>) dst(%dma_wait3A_59 : memref<128x64xf32, #tpu.memory_space<vmem>>)
    %mul3A_65 = arith.constant 256 : i32
    %mul3A_66 = arith.muli %add3A, %mul3A_65 : i32
    "tpu.region"() ({
      %run_scoped3A = tpu.sem_alloc : memref<!tpu.dma_semaphore, #tpu.memory_space<semaphore_mem>>
      %dma_start3A_69 = arith.constant 0 : i32
      %dma_start3A_70 = arith.constant 0 : i32
      %dma_start3A_71 = tpu.memref_slice %arg6[%dma_start3A_69, %dma_start3A_70] : memref<512x64xf32, #tpu.memory_space<vmem>> -> memref<256x64xf32, #tpu.memory_space<vmem>>
      %dma_start3A_72 = arith.constant 0 : i32
      %dma_start3A_73 = tpu.memref_slice %arg4[%mul3A_66, %dma_start3A_72] : memref<8192x128xf32, #tpu.memory_space<hbm>> -> memref<256x64xf32, #tpu.memory_space<hbm>>
      %dma_start3A_74 = arith.constant 0 : i32
      %dma_start3A_75 = tpu.memref_slice %arg4[%mul3A_66, %dma_start3A_74] : memref<8192x128xf32, #tpu.memory_space<hbm>> -> memref<256x64xf32, #tpu.memory_space<hbm>>
      %dma_start3A_76 = arith.constant 0 : i32
      %dma_start3A_77 = arith.constant 0 : i32
      %dma_start3A_78 = tpu.memref_slice %arg6[%dma_start3A_76, %dma_start3A_77] : memref<512x64xf32, #tpu.memory_space<vmem>> -> memref<256x64xf32, #tpu.memory_space<vmem>>
      tpu.enqueue_dma source(%dma_start3A_78 : memref<256x64xf32, #tpu.memory_space<vmem>>) target(%dma_start3A_75 : memref<256x64xf32, #tpu.memory_space<hbm>>) target_semaphore(%run_scoped3A : memref<!tpu.dma_semaphore, #tpu.memory_space<semaphore_mem>>)
      %dma_wait3A_79 = arith.constant 0 : i32
      %dma_wait3A_80 = arith.constant 0 : i32
      %dma_wait3A_81 = tpu.memref_slice %arg6[%dma_wait3A_79, %dma_wait3A_80] : memref<512x64xf32, #tpu.memory_space<vmem>> -> memref<256x64xf32, #tpu.memory_space<vmem>>
      %dma_wait3A_82 = arith.constant 0 : i32
      %dma_wait3A_83 = tpu.memref_slice %arg4[%mul3A_66, %dma_wait3A_82] : memref<8192x128xf32, #tpu.memory_space<hbm>> -> memref<256x64xf32, #tpu.memory_space<hbm>>
      %dma_wait3A_84 = arith.constant 0 : i32
      %dma_wait3A_85 = tpu.memref_slice %arg4[%mul3A_66, %dma_wait3A_84] : memref<8192x128xf32, #tpu.memory_space<hbm>> -> memref<256x64xf32, #tpu.memory_space<hbm>>
      %dma_wait3A_86 = arith.constant 0 : i32
      %dma_wait3A_87 = arith.constant 0 : i32
      %dma_wait3A_88 = tpu.memref_slice %arg6[%dma_wait3A_86, %dma_wait3A_87] : memref<512x64xf32, #tpu.memory_space<vmem>> -> memref<256x64xf32, #tpu.memory_space<vmem>>
      tpu.wait_dma2 semaphore(%run_scoped3A : memref<!tpu.dma_semaphore, #tpu.memory_space<semaphore_mem>>) src(%dma_wait3A_88 : memref<256x64xf32, #tpu.memory_space<vmem>>) dst(%dma_wait3A_85 : memref<256x64xf32, #tpu.memory_space<hbm>>)
      tpu.yield
    }) : () -> ()
    %mul3A_67 = arith.constant 256 : i32
    %mul3A_68 = arith.muli %add3A, %mul3A_67 : i32
    "tpu.region"() ({
      %run_scoped3A = tpu.sem_alloc : memref<!tpu.dma_semaphore, #tpu.memory_space<semaphore_mem>>
      %dma_start3A_69 = arith.constant 256 : i32
      %dma_start3A_70 = arith.constant 0 : i32
      %dma_start3A_71 = tpu.memref_slice %arg6[%dma_start3A_69, %dma_start3A_70] : memref<512x64xf32, #tpu.memory_space<vmem>> -> memref<256x64xf32, #tpu.memory_space<vmem>>
      %dma_start3A_72 = arith.constant 64 : i32
      %dma_start3A_73 = tpu.memref_slice %arg4[%mul3A_68, %dma_start3A_72] : memref<8192x128xf32, #tpu.memory_space<hbm>> -> memref<256x64xf32, #tpu.memory_space<hbm>>
      %dma_start3A_74 = arith.constant 64 : i32
      %dma_start3A_75 = tpu.memref_slice %arg4[%mul3A_68, %dma_start3A_74] : memref<8192x128xf32, #tpu.memory_space<hbm>> -> memref<256x64xf32, #tpu.memory_space<hbm>>
      %dma_start3A_76 = arith.constant 256 : i32
      %dma_start3A_77 = arith.constant 0 : i32
      %dma_start3A_78 = tpu.memref_slice %arg6[%dma_start3A_76, %dma_start3A_77] : memref<512x64xf32, #tpu.memory_space<vmem>> -> memref<256x64xf32, #tpu.memory_space<vmem>>
      tpu.enqueue_dma source(%dma_start3A_78 : memref<256x64xf32, #tpu.memory_space<vmem>>) target(%dma_start3A_75 : memref<256x64xf32, #tpu.memory_space<hbm>>) target_semaphore(%run_scoped3A : memref<!tpu.dma_semaphore, #tpu.memory_space<semaphore_mem>>)
      %dma_wait3A_79 = arith.constant 256 : i32
      %dma_wait3A_80 = arith.constant 0 : i32
      %dma_wait3A_81 = tpu.memref_slice %arg6[%dma_wait3A_79, %dma_wait3A_80] : memref<512x64xf32, #tpu.memory_space<vmem>> -> memref<256x64xf32, #tpu.memory_space<vmem>>
      %dma_wait3A_82 = arith.constant 64 : i32
      %dma_wait3A_83 = tpu.memref_slice %arg4[%mul3A_68, %dma_wait3A_82] : memref<8192x128xf32, #tpu.memory_space<hbm>> -> memref<256x64xf32, #tpu.memory_space<hbm>>
      %dma_wait3A_84 = arith.constant 64 : i32
      %dma_wait3A_85 = tpu.memref_slice %arg4[%mul3A_68, %dma_wait3A_84] : memref<8192x128xf32, #tpu.memory_space<hbm>> -> memref<256x64xf32, #tpu.memory_space<hbm>>
      %dma_wait3A_86 = arith.constant 256 : i32
      %dma_wait3A_87 = arith.constant 0 : i32
      %dma_wait3A_88 = tpu.memref_slice %arg6[%dma_wait3A_86, %dma_wait3A_87] : memref<512x64xf32, #tpu.memory_space<vmem>> -> memref<256x64xf32, #tpu.memory_space<vmem>>
      tpu.wait_dma2 semaphore(%run_scoped3A : memref<!tpu.dma_semaphore, #tpu.memory_space<semaphore_mem>>) src(%dma_wait3A_88 : memref<256x64xf32, #tpu.memory_space<vmem>>) dst(%dma_wait3A_85 : memref<256x64xf32, #tpu.memory_space<hbm>>)
      tpu.yield
    }) : () -> ()
    return
  }
}

module attributes {stable_mosaic.version = 14 : i64} {
  func.func @_tc_dense(%arg0: i32, %arg1: memref<14x8192xf32, #tpu.memory_space<vmem>>, %arg2: memref<14x256xf32, #tpu.memory_space<vmem>>, %arg3: memref<1x256xf32, #tpu.memory_space<vmem>>, %arg4: memref<64x128xi32, #tpu.memory_space<vmem>>, %arg5: memref<2x8192x128xf32, #tpu.memory_space<vmem>>, %arg6: memref<64x128xi32, #tpu.memory_space<vmem>>) attributes {dimension_semantics = [#tpu.dimension_semantics<arbitrary>], iteration_bounds = array<i64: 2>, scalar_prefetch = 0 : i64, scratch_operands = 0 : i64, tpu.core_type = #tpu.core_type<tc>, window_params = [{transform_indices = @transform_0, window_bounds = array<i64: 14, 8192>}, {pipeline_mode = #tpu.pipeline_mode<synchronous>, transform_indices = @transform_1, window_bounds = array<i64: 14, 256>}, {pipeline_mode = #tpu.pipeline_mode<synchronous>, transform_indices = @transform_2, window_bounds = array<i64: 1, 256>}, {transform_indices = @transform_3, window_bounds = array<i64: 64, 128>}, {transform_indices = @transform_4, window_bounds = array<i64: 2, 8192, 128>}, {transform_indices = @transform_5, window_bounds = array<i64: 64, 128>}]} {
    %get3A = arith.constant 0 : index
    %get3A_0 = arith.constant 0 : index
    %get3A_1 = vector.load %arg1[%get3A, %get3A_0] : memref<14x8192xf32, #tpu.memory_space<vmem>>, vector<14x8192xf32>
    %get3A_2 = arith.constant 0 : index
    %get3A_3 = arith.constant 0 : index
    %get3A_4 = vector.load %arg2[%get3A_2, %get3A_3] : memref<14x256xf32, #tpu.memory_space<vmem>>, vector<14x256xf32>
    %dot_general3A = arith.constant dense<0.000000e+00> : vector<8192x256xf32>
    %dot_general3A_5 = tpu.matmul %get3A_1, %get3A_4, %dot_general3A {dimension_numbers = #tpu.dot_dimension_numbers<[0], [0], [1], [1], [0, 1, 1, 1], [], []>, transpose_lhs_hint = false} : vector<14x8192xf32>, vector<14x256xf32>, vector<8192x256xf32> -> vector<8192x256xf32>
    %get3A_6 = arith.constant 0 : index
    %get3A_7 = arith.constant 0 : index
    %get3A_8 = vector.load %arg3[%get3A_6, %get3A_7] : memref<1x256xf32, #tpu.memory_space<vmem>>, vector<1x256xf32>
    %slice3A = vector.extract_strided_slice %dot_general3A_5 {offsets = [0, 0], sizes = [8192, 128], strides = [1, 1]} : vector<8192x256xf32> to vector<8192x128xf32>
    %slice3A_9 = vector.extract_strided_slice %get3A_8 {offsets = [0, 0], sizes = [1, 128], strides = [1, 1]} : vector<1x256xf32> to vector<1x128xf32>
    %add3A = vector.broadcast %slice3A_9 : vector<1x128xf32> to vector<8192x128xf32>
    %add3A_10 = arith.addf %slice3A, %add3A : vector<8192x128xf32>
    %swap3A = arith.constant 0 : index
    %swap3A_11 = arith.constant 0 : index
    %swap3A_12 = arith.constant 0 : index
    %swap3A_13 = vector.load %arg5[%swap3A, %swap3A_11, %swap3A_12] : memref<2x8192x128xf32, #tpu.memory_space<vmem>>, vector<1x8192x128xf32>
    %swap3A_14 = vector.shape_cast %swap3A_13 : vector<1x8192x128xf32> to vector<8192x128xf32>
    %swap3A_15 = vector.shape_cast %add3A_10 : vector<8192x128xf32> to vector<1x8192x128xf32>
    tpu.vector_store %arg5[%swap3A, %swap3A_11, %swap3A_12], %swap3A_15 {strides = array<i32>} : memref<2x8192x128xf32, #tpu.memory_space<vmem>>, vector<1x8192x128xf32>,
    %slice3A_16 = vector.extract_strided_slice %dot_general3A_5 {offsets = [0, 128], sizes = [8192, 128], strides = [1, 1]} : vector<8192x256xf32> to vector<8192x128xf32>
    %slice3A_17 = vector.extract_strided_slice %get3A_8 {offsets = [0, 128], sizes = [1, 128], strides = [1, 1]} : vector<1x256xf32> to vector<1x128xf32>
    %add3A_18 = vector.broadcast %slice3A_17 : vector<1x128xf32> to vector<8192x128xf32>
    %add3A_19 = arith.addf %slice3A_16, %add3A_18 : vector<8192x128xf32>
    %swap3A_20 = arith.constant 1 : index
    %swap3A_21 = arith.constant 0 : index
    %swap3A_22 = arith.constant 0 : index
    %swap3A_23 = vector.load %arg5[%swap3A_20, %swap3A_21, %swap3A_22] : memref<2x8192x128xf32, #tpu.memory_space<vmem>>, vector<1x8192x128xf32>
    %swap3A_24 = vector.shape_cast %swap3A_23 : vector<1x8192x128xf32> to vector<8192x128xf32>
    %swap3A_25 = vector.shape_cast %add3A_19 : vector<8192x128xf32> to vector<1x8192x128xf32>
    tpu.vector_store %arg5[%swap3A_20, %swap3A_21, %swap3A_22], %swap3A_25 {strides = array<i32>} : memref<2x8192x128xf32, #tpu.memory_space<vmem>>, vector<1x8192x128xf32>,
    %get3A_26 = arith.constant 0 : index
    %get3A_27 = arith.constant 0 : index
    %get3A_28 = vector.load %arg4[%get3A_26, %get3A_27] : memref<64x128xi32, #tpu.memory_space<vmem>>, vector<64x128xi32>
    %mul3A = arith.constant 8192 : i32
    %mul3A_29 = arith.muli %arg0, %mul3A : i32
    %iota3A = tpu.iota {dimensions = array<i32: 0>} : vector<64x128xi32>
    %mul3A_30 = arith.constant 128 : i32
    %mul3A_31 = vector.broadcast %mul3A_30 : i32 to vector<64x128xi32>
    %mul3A_32 = arith.muli %iota3A, %mul3A_31 : vector<64x128xi32>
    %add3A_33 = vector.broadcast %mul3A_29 : i32 to vector<64x128xi32>
    %add3A_34 = arith.addi %add3A_33, %mul3A_32 : vector<64x128xi32>
    %iota3A_35 = tpu.iota {dimensions = array<i32: 1>} : vector<64x128xi32>
    %add3A_36 = arith.addi %add3A_34, %iota3A_35 : vector<64x128xi32>
    %shift_right_arithmetic3A = arith.constant 1 : i32
    %shift_right_arithmetic3A_37 = vector.broadcast %shift_right_arithmetic3A : i32 to vector<64x128xi32>
    %shift_right_arithmetic3A_38 = arith.shrsi %get3A_28, %shift_right_arithmetic3A_37 : vector<64x128xi32>
    %mul3A_39 = arith.constant 32768 : i32
    %mul3A_40 = vector.broadcast %mul3A_39 : i32 to vector<64x128xi32>
    %mul3A_41 = arith.muli %shift_right_arithmetic3A_38, %mul3A_40 : vector<64x128xi32>
    %mul3A_42 = arith.constant 2 : i32
    %mul3A_43 = vector.broadcast %mul3A_42 : i32 to vector<64x128xi32>
    %mul3A_44 = arith.muli %mul3A_43, %add3A_36 : vector<64x128xi32>
    %add3A_45 = arith.addi %mul3A_41, %mul3A_44 : vector<64x128xi32>
    %and3A = arith.constant 1 : i32
    %and3A_46 = vector.broadcast %and3A : i32 to vector<64x128xi32>
    %and3A_47 = arith.andi %get3A_28, %and3A_46 : vector<64x128xi32>
    %add3A_48 = arith.addi %add3A_45, %and3A_47 : vector<64x128xi32>
    %swap3A_49 = arith.constant 0 : index
    %swap3A_50 = arith.constant 0 : index
    %swap3A_51 = vector.load %arg6[%swap3A_49, %swap3A_50] : memref<64x128xi32, #tpu.memory_space<vmem>>, vector<64x128xi32>
    tpu.vector_store %arg6[%swap3A_49, %swap3A_50], %add3A_48 {strides = array<i32>} : memref<64x128xi32, #tpu.memory_space<vmem>>, vector<64x128xi32>,
    return
  }
  func.func @transform_0(%arg0: i32) -> (i32, i32) {
    %c0_i32 = arith.constant 0 : i32
    %c0_i32_0 = arith.constant 0 : i32
    return %c0_i32, %arg0 : i32, i32
  }
  func.func @transform_1(%arg0: i32) -> (i32, i32) {
    %c0_i32 = arith.constant 0 : i32
    %c0_i32_0 = arith.constant 0 : i32
    %c0_i32_1 = arith.constant 0 : i32
    return %c0_i32, %c0_i32_0 : i32, i32
  }
  func.func @transform_2(%arg0: i32) -> (i32, i32) {
    %c0_i32 = arith.constant 0 : i32
    %c0_i32_0 = arith.constant 0 : i32
    %c0_i32_1 = arith.constant 0 : i32
    return %c0_i32, %c0_i32_0 : i32, i32
  }
  func.func @transform_3(%arg0: i32) -> (i32, i32) {
    %c0_i32 = arith.constant 0 : i32
    %c0_i32_0 = arith.constant 0 : i32
    return %arg0, %c0_i32 : i32, i32
  }
  func.func @transform_4(%arg0: i32) -> (i32, i32, i32) {
    %c0_i32 = arith.constant 0 : i32
    %c0_i32_0 = arith.constant 0 : i32
    %c0_i32_1 = arith.constant 0 : i32
    return %c0_i32, %arg0, %c0_i32_0 : i32, i32, i32
  }
  func.func @transform_5(%arg0: i32) -> (i32, i32) {
    %c0_i32 = arith.constant 0 : i32
    %c0_i32_0 = arith.constant 0 : i32
    return %arg0, %c0_i32 : i32, i32
  }
}

module attributes {stable_mosaic.version = 14 : i64} {
  func.func @_tc_out(%arg0: i32, %arg1: memref<4096x128xf32, #tpu.memory_space<vmem>>, %arg2: memref<64x8192xf32, #tpu.memory_space<vmem>>) attributes {dimension_semantics = [#tpu.dimension_semantics<arbitrary>], iteration_bounds = array<i64: 2>, scalar_prefetch = 0 : i64, scratch_operands = 0 : i64, tpu.core_type = #tpu.core_type<tc>, window_params = [{transform_indices = @transform_0, window_bounds = array<i64: 4096, 128>}, {transform_indices = @transform_1, window_bounds = array<i64: 64, 8192>}]} {
    %get3A = arith.constant 0 : index
    %get3A_0 = arith.constant 0 : index
    %get3A_1 = vector.load %arg1[%get3A, %get3A_0] : memref<4096x128xf32, #tpu.memory_space<vmem>>, vector<4096x128xf32>
    %transpose3A = tpu.transpose %get3A_1, [1, 0] : vector<4096x128xf32> -> vector<128x4096xf32>
    %slice3A = vector.extract_strided_slice %transpose3A {offsets = [0, 0], sizes = [64, 256], strides = [1, 1]} : vector<128x4096xf32> to vector<64x256xf32>
    %swap3A = arith.constant 0 : index
    %swap3A_2 = arith.constant 0 : index
    %swap3A_3 = vector.load %arg2[%swap3A, %swap3A_2] : memref<64x8192xf32, #tpu.memory_space<vmem>>, vector<64x256xf32>
    tpu.vector_store %arg2[%swap3A, %swap3A_2], %slice3A {strides = array<i32>} : memref<64x8192xf32, #tpu.memory_space<vmem>>, vector<64x256xf32>,
    %slice3A_4 = vector.extract_strided_slice %transpose3A {offsets = [64, 0], sizes = [64, 256], strides = [1, 1]} : vector<128x4096xf32> to vector<64x256xf32>
    %swap3A_5 = arith.constant 0 : index
    %swap3A_6 = arith.constant 256 : index
    %swap3A_7 = vector.load %arg2[%swap3A_5, %swap3A_6] : memref<64x8192xf32, #tpu.memory_space<vmem>>, vector<64x256xf32>
    tpu.vector_store %arg2[%swap3A_5, %swap3A_6], %slice3A_4 {strides = array<i32>} : memref<64x8192xf32, #tpu.memory_space<vmem>>, vector<64x256xf32>,
    %slice3A_8 = vector.extract_strided_slice %transpose3A {offsets = [0, 256], sizes = [64, 256], strides = [1, 1]} : vector<128x4096xf32> to vector<64x256xf32>
    %swap3A_9 = arith.constant 0 : index
    %swap3A_10 = arith.constant 512 : index
    %swap3A_11 = vector.load %arg2[%swap3A_9, %swap3A_10] : memref<64x8192xf32, #tpu.memory_space<vmem>>, vector<64x256xf32>
    tpu.vector_store %arg2[%swap3A_9, %swap3A_10], %slice3A_8 {strides = array<i32>} : memref<64x8192xf32, #tpu.memory_space<vmem>>, vector<64x256xf32>,
    %slice3A_12 = vector.extract_strided_slice %transpose3A {offsets = [64, 256], sizes = [64, 256], strides = [1, 1]} : vector<128x4096xf32> to vector<64x256xf32>
    %swap3A_13 = arith.constant 0 : index
    %swap3A_14 = arith.constant 768 : index
    %swap3A_15 = vector.load %arg2[%swap3A_13, %swap3A_14] : memref<64x8192xf32, #tpu.memory_space<vmem>>, vector<64x256xf32>
    tpu.vector_store %arg2[%swap3A_13, %swap3A_14], %slice3A_12 {strides = array<i32>} : memref<64x8192xf32, #tpu.memory_space<vmem>>, vector<64x256xf32>,
    %slice3A_16 = vector.extract_strided_slice %transpose3A {offsets = [0, 512], sizes = [64, 256], strides = [1, 1]} : vector<128x4096xf32> to vector<64x256xf32>
    %swap3A_17 = arith.constant 0 : index
    %swap3A_18 = arith.constant 1024 : index
    %swap3A_19 = vector.load %arg2[%swap3A_17, %swap3A_18] : memref<64x8192xf32, #tpu.memory_space<vmem>>, vector<64x256xf32>
    tpu.vector_store %arg2[%swap3A_17, %swap3A_18], %slice3A_16 {strides = array<i32>} : memref<64x8192xf32, #tpu.memory_space<vmem>>, vector<64x256xf32>,
    %slice3A_20 = vector.extract_strided_slice %transpose3A {offsets = [64, 512], sizes = [64, 256], strides = [1, 1]} : vector<128x4096xf32> to vector<64x256xf32>
    %swap3A_21 = arith.constant 0 : index
    %swap3A_22 = arith.constant 1280 : index
    %swap3A_23 = vector.load %arg2[%swap3A_21, %swap3A_22] : memref<64x8192xf32, #tpu.memory_space<vmem>>, vector<64x256xf32>
    tpu.vector_store %arg2[%swap3A_21, %swap3A_22], %slice3A_20 {strides = array<i32>} : memref<64x8192xf32, #tpu.memory_space<vmem>>, vector<64x256xf32>,
    %slice3A_24 = vector.extract_strided_slice %transpose3A {offsets = [0, 768], sizes = [64, 256], strides = [1, 1]} : vector<128x4096xf32> to vector<64x256xf32>
    %swap3A_25 = arith.constant 0 : index
    %swap3A_26 = arith.constant 1536 : index
    %swap3A_27 = vector.load %arg2[%swap3A_25, %swap3A_26] : memref<64x8192xf32, #tpu.memory_space<vmem>>, vector<64x256xf32>
    tpu.vector_store %arg2[%swap3A_25, %swap3A_26], %slice3A_24 {strides = array<i32>} : memref<64x8192xf32, #tpu.memory_space<vmem>>, vector<64x256xf32>,
    %slice3A_28 = vector.extract_strided_slice %transpose3A {offsets = [64, 768], sizes = [64, 256], strides = [1, 1]} : vector<128x4096xf32> to vector<64x256xf32>
    %swap3A_29 = arith.constant 0 : index
    %swap3A_30 = arith.constant 1792 : index
    %swap3A_31 = vector.load %arg2[%swap3A_29, %swap3A_30] : memref<64x8192xf32, #tpu.memory_space<vmem>>, vector<64x256xf32>
    tpu.vector_store %arg2[%swap3A_29, %swap3A_30], %slice3A_28 {strides = array<i32>} : memref<64x8192xf32, #tpu.memory_space<vmem>>, vector<64x256xf32>,
    %slice3A_32 = vector.extract_strided_slice %transpose3A {offsets = [0, 1024], sizes = [64, 256], strides = [1, 1]} : vector<128x4096xf32> to vector<64x256xf32>
    %swap3A_33 = arith.constant 0 : index
    %swap3A_34 = arith.constant 2048 : index
    %swap3A_35 = vector.load %arg2[%swap3A_33, %swap3A_34] : memref<64x8192xf32, #tpu.memory_space<vmem>>, vector<64x256xf32>
    tpu.vector_store %arg2[%swap3A_33, %swap3A_34], %slice3A_32 {strides = array<i32>} : memref<64x8192xf32, #tpu.memory_space<vmem>>, vector<64x256xf32>,
    %slice3A_36 = vector.extract_strided_slice %transpose3A {offsets = [64, 1024], sizes = [64, 256], strides = [1, 1]} : vector<128x4096xf32> to vector<64x256xf32>
    %swap3A_37 = arith.constant 0 : index
    %swap3A_38 = arith.constant 2304 : index
    %swap3A_39 = vector.load %arg2[%swap3A_37, %swap3A_38] : memref<64x8192xf32, #tpu.memory_space<vmem>>, vector<64x256xf32>
    tpu.vector_store %arg2[%swap3A_37, %swap3A_38], %slice3A_36 {strides = array<i32>} : memref<64x8192xf32, #tpu.memory_space<vmem>>, vector<64x256xf32>,
    %slice3A_40 = vector.extract_strided_slice %transpose3A {offsets = [0, 1280], sizes = [64, 256], strides = [1, 1]} : vector<128x4096xf32> to vector<64x256xf32>
    %swap3A_41 = arith.constant 0 : index
    %swap3A_42 = arith.constant 2560 : index
    %swap3A_43 = vector.load %arg2[%swap3A_41, %swap3A_42] : memref<64x8192xf32, #tpu.memory_space<vmem>>, vector<64x256xf32>
    tpu.vector_store %arg2[%swap3A_41, %swap3A_42], %slice3A_40 {strides = array<i32>} : memref<64x8192xf32, #tpu.memory_space<vmem>>, vector<64x256xf32>,
    %slice3A_44 = vector.extract_strided_slice %transpose3A {offsets = [64, 1280], sizes = [64, 256], strides = [1, 1]} : vector<128x4096xf32> to vector<64x256xf32>
    %swap3A_45 = arith.constant 0 : index
    %swap3A_46 = arith.constant 2816 : index
    %swap3A_47 = vector.load %arg2[%swap3A_45, %swap3A_46] : memref<64x8192xf32, #tpu.memory_space<vmem>>, vector<64x256xf32>
    tpu.vector_store %arg2[%swap3A_45, %swap3A_46], %slice3A_44 {strides = array<i32>} : memref<64x8192xf32, #tpu.memory_space<vmem>>, vector<64x256xf32>,
    %slice3A_48 = vector.extract_strided_slice %transpose3A {offsets = [0, 1536], sizes = [64, 256], strides = [1, 1]} : vector<128x4096xf32> to vector<64x256xf32>
    %swap3A_49 = arith.constant 0 : index
    %swap3A_50 = arith.constant 3072 : index
    %swap3A_51 = vector.load %arg2[%swap3A_49, %swap3A_50] : memref<64x8192xf32, #tpu.memory_space<vmem>>, vector<64x256xf32>
    tpu.vector_store %arg2[%swap3A_49, %swap3A_50], %slice3A_48 {strides = array<i32>} : memref<64x8192xf32, #tpu.memory_space<vmem>>, vector<64x256xf32>,
    %slice3A_52 = vector.extract_strided_slice %transpose3A {offsets = [64, 1536], sizes = [64, 256], strides = [1, 1]} : vector<128x4096xf32> to vector<64x256xf32>
    %swap3A_53 = arith.constant 0 : index
    %swap3A_54 = arith.constant 3328 : index
    %swap3A_55 = vector.load %arg2[%swap3A_53, %swap3A_54] : memref<64x8192xf32, #tpu.memory_space<vmem>>, vector<64x256xf32>
    tpu.vector_store %arg2[%swap3A_53, %swap3A_54], %slice3A_52 {strides = array<i32>} : memref<64x8192xf32, #tpu.memory_space<vmem>>, vector<64x256xf32>,
    %slice3A_56 = vector.extract_strided_slice %transpose3A {offsets = [0, 1792], sizes = [64, 256], strides = [1, 1]} : vector<128x4096xf32> to vector<64x256xf32>
    %swap3A_57 = arith.constant 0 : index
    %swap3A_58 = arith.constant 3584 : index
    %swap3A_59 = vector.load %arg2[%swap3A_57, %swap3A_58] : memref<64x8192xf32, #tpu.memory_space<vmem>>, vector<64x256xf32>
    tpu.vector_store %arg2[%swap3A_57, %swap3A_58], %slice3A_56 {strides = array<i32>} : memref<64x8192xf32, #tpu.memory_space<vmem>>, vector<64x256xf32>,
    %slice3A_60 = vector.extract_strided_slice %transpose3A {offsets = [64, 1792], sizes = [64, 256], strides = [1, 1]} : vector<128x4096xf32> to vector<64x256xf32>
    %swap3A_61 = arith.constant 0 : index
    %swap3A_62 = arith.constant 3840 : index
    %swap3A_63 = vector.load %arg2[%swap3A_61, %swap3A_62] : memref<64x8192xf32, #tpu.memory_space<vmem>>, vector<64x256xf32>
    tpu.vector_store %arg2[%swap3A_61, %swap3A_62], %slice3A_60 {strides = array<i32>} : memref<64x8192xf32, #tpu.memory_space<vmem>>, vector<64x256xf32>,
    %slice3A_64 = vector.extract_strided_slice %transpose3A {offsets = [0, 2048], sizes = [64, 256], strides = [1, 1]} : vector<128x4096xf32> to vector<64x256xf32>
    %swap3A_65 = arith.constant 0 : index
    %swap3A_66 = arith.constant 4096 : index
    %swap3A_67 = vector.load %arg2[%swap3A_65, %swap3A_66] : memref<64x8192xf32, #tpu.memory_space<vmem>>, vector<64x256xf32>
    tpu.vector_store %arg2[%swap3A_65, %swap3A_66], %slice3A_64 {strides = array<i32>} : memref<64x8192xf32, #tpu.memory_space<vmem>>, vector<64x256xf32>,
    %slice3A_68 = vector.extract_strided_slice %transpose3A {offsets = [64, 2048], sizes = [64, 256], strides = [1, 1]} : vector<128x4096xf32> to vector<64x256xf32>
    %swap3A_69 = arith.constant 0 : index
    %swap3A_70 = arith.constant 4352 : index
    %swap3A_71 = vector.load %arg2[%swap3A_69, %swap3A_70] : memref<64x8192xf32, #tpu.memory_space<vmem>>, vector<64x256xf32>
    tpu.vector_store %arg2[%swap3A_69, %swap3A_70], %slice3A_68 {strides = array<i32>} : memref<64x8192xf32, #tpu.memory_space<vmem>>, vector<64x256xf32>,
    %slice3A_72 = vector.extract_strided_slice %transpose3A {offsets = [0, 2304], sizes = [64, 256], strides = [1, 1]} : vector<128x4096xf32> to vector<64x256xf32>
    %swap3A_73 = arith.constant 0 : index
    %swap3A_74 = arith.constant 4608 : index
    %swap3A_75 = vector.load %arg2[%swap3A_73, %swap3A_74] : memref<64x8192xf32, #tpu.memory_space<vmem>>, vector<64x256xf32>
    tpu.vector_store %arg2[%swap3A_73, %swap3A_74], %slice3A_72 {strides = array<i32>} : memref<64x8192xf32, #tpu.memory_space<vmem>>, vector<64x256xf32>,
    %slice3A_76 = vector.extract_strided_slice %transpose3A {offsets = [64, 2304], sizes = [64, 256], strides = [1, 1]} : vector<128x4096xf32> to vector<64x256xf32>
    %swap3A_77 = arith.constant 0 : index
    %swap3A_78 = arith.constant 4864 : index
    %swap3A_79 = vector.load %arg2[%swap3A_77, %swap3A_78] : memref<64x8192xf32, #tpu.memory_space<vmem>>, vector<64x256xf32>
    tpu.vector_store %arg2[%swap3A_77, %swap3A_78], %slice3A_76 {strides = array<i32>} : memref<64x8192xf32, #tpu.memory_space<vmem>>, vector<64x256xf32>,
    %slice3A_80 = vector.extract_strided_slice %transpose3A {offsets = [0, 2560], sizes = [64, 256], strides = [1, 1]} : vector<128x4096xf32> to vector<64x256xf32>
    %swap3A_81 = arith.constant 0 : index
    %swap3A_82 = arith.constant 5120 : index
    %swap3A_83 = vector.load %arg2[%swap3A_81, %swap3A_82] : memref<64x8192xf32, #tpu.memory_space<vmem>>, vector<64x256xf32>
    tpu.vector_store %arg2[%swap3A_81, %swap3A_82], %slice3A_80 {strides = array<i32>} : memref<64x8192xf32, #tpu.memory_space<vmem>>, vector<64x256xf32>,
    %slice3A_84 = vector.extract_strided_slice %transpose3A {offsets = [64, 2560], sizes = [64, 256], strides = [1, 1]} : vector<128x4096xf32> to vector<64x256xf32>
    %swap3A_85 = arith.constant 0 : index
    %swap3A_86 = arith.constant 5376 : index
    %swap3A_87 = vector.load %arg2[%swap3A_85, %swap3A_86] : memref<64x8192xf32, #tpu.memory_space<vmem>>, vector<64x256xf32>
    tpu.vector_store %arg2[%swap3A_85, %swap3A_86], %slice3A_84 {strides = array<i32>} : memref<64x8192xf32, #tpu.memory_space<vmem>>, vector<64x256xf32>,
    %slice3A_88 = vector.extract_strided_slice %transpose3A {offsets = [0, 2816], sizes = [64, 256], strides = [1, 1]} : vector<128x4096xf32> to vector<64x256xf32>
    %swap3A_89 = arith.constant 0 : index
    %swap3A_90 = arith.constant 5632 : index
    %swap3A_91 = vector.load %arg2[%swap3A_89, %swap3A_90] : memref<64x8192xf32, #tpu.memory_space<vmem>>, vector<64x256xf32>
    tpu.vector_store %arg2[%swap3A_89, %swap3A_90], %slice3A_88 {strides = array<i32>} : memref<64x8192xf32, #tpu.memory_space<vmem>>, vector<64x256xf32>,
    %slice3A_92 = vector.extract_strided_slice %transpose3A {offsets = [64, 2816], sizes = [64, 256], strides = [1, 1]} : vector<128x4096xf32> to vector<64x256xf32>
    %swap3A_93 = arith.constant 0 : index
    %swap3A_94 = arith.constant 5888 : index
    %swap3A_95 = vector.load %arg2[%swap3A_93, %swap3A_94] : memref<64x8192xf32, #tpu.memory_space<vmem>>, vector<64x256xf32>
    tpu.vector_store %arg2[%swap3A_93, %swap3A_94], %slice3A_92 {strides = array<i32>} : memref<64x8192xf32, #tpu.memory_space<vmem>>, vector<64x256xf32>,
    %slice3A_96 = vector.extract_strided_slice %transpose3A {offsets = [0, 3072], sizes = [64, 256], strides = [1, 1]} : vector<128x4096xf32> to vector<64x256xf32>
    %swap3A_97 = arith.constant 0 : index
    %swap3A_98 = arith.constant 6144 : index
    %swap3A_99 = vector.load %arg2[%swap3A_97, %swap3A_98] : memref<64x8192xf32, #tpu.memory_space<vmem>>, vector<64x256xf32>
    tpu.vector_store %arg2[%swap3A_97, %swap3A_98], %slice3A_96 {strides = array<i32>} : memref<64x8192xf32, #tpu.memory_space<vmem>>, vector<64x256xf32>,
    %slice3A_100 = vector.extract_strided_slice %transpose3A {offsets = [64, 3072], sizes = [64, 256], strides = [1, 1]} : vector<128x4096xf32> to vector<64x256xf32>
    %swap3A_101 = arith.constant 0 : index
    %swap3A_102 = arith.constant 6400 : index
    %swap3A_103 = vector.load %arg2[%swap3A_101, %swap3A_102] : memref<64x8192xf32, #tpu.memory_space<vmem>>, vector<64x256xf32>
    tpu.vector_store %arg2[%swap3A_101, %swap3A_102], %slice3A_100 {strides = array<i32>} : memref<64x8192xf32, #tpu.memory_space<vmem>>, vector<64x256xf32>,
    %slice3A_104 = vector.extract_strided_slice %transpose3A {offsets = [0, 3328], sizes = [64, 256], strides = [1, 1]} : vector<128x4096xf32> to vector<64x256xf32>
    %swap3A_105 = arith.constant 0 : index
    %swap3A_106 = arith.constant 6656 : index
    %swap3A_107 = vector.load %arg2[%swap3A_105, %swap3A_106] : memref<64x8192xf32, #tpu.memory_space<vmem>>, vector<64x256xf32>
    tpu.vector_store %arg2[%swap3A_105, %swap3A_106], %slice3A_104 {strides = array<i32>} : memref<64x8192xf32, #tpu.memory_space<vmem>>, vector<64x256xf32>,
    %slice3A_108 = vector.extract_strided_slice %transpose3A {offsets = [64, 3328], sizes = [64, 256], strides = [1, 1]} : vector<128x4096xf32> to vector<64x256xf32>
    %swap3A_109 = arith.constant 0 : index
    %swap3A_110 = arith.constant 6912 : index
    %swap3A_111 = vector.load %arg2[%swap3A_109, %swap3A_110] : memref<64x8192xf32, #tpu.memory_space<vmem>>, vector<64x256xf32>
    tpu.vector_store %arg2[%swap3A_109, %swap3A_110], %slice3A_108 {strides = array<i32>} : memref<64x8192xf32, #tpu.memory_space<vmem>>, vector<64x256xf32>,
    %slice3A_112 = vector.extract_strided_slice %transpose3A {offsets = [0, 3584], sizes = [64, 256], strides = [1, 1]} : vector<128x4096xf32> to vector<64x256xf32>
    %swap3A_113 = arith.constant 0 : index
    %swap3A_114 = arith.constant 7168 : index
    %swap3A_115 = vector.load %arg2[%swap3A_113, %swap3A_114] : memref<64x8192xf32, #tpu.memory_space<vmem>>, vector<64x256xf32>
    tpu.vector_store %arg2[%swap3A_113, %swap3A_114], %slice3A_112 {strides = array<i32>} : memref<64x8192xf32, #tpu.memory_space<vmem>>, vector<64x256xf32>,
    %slice3A_116 = vector.extract_strided_slice %transpose3A {offsets = [64, 3584], sizes = [64, 256], strides = [1, 1]} : vector<128x4096xf32> to vector<64x256xf32>
    %swap3A_117 = arith.constant 0 : index
    %swap3A_118 = arith.constant 7424 : index
    %swap3A_119 = vector.load %arg2[%swap3A_117, %swap3A_118] : memref<64x8192xf32, #tpu.memory_space<vmem>>, vector<64x256xf32>
    tpu.vector_store %arg2[%swap3A_117, %swap3A_118], %slice3A_116 {strides = array<i32>} : memref<64x8192xf32, #tpu.memory_space<vmem>>, vector<64x256xf32>,
    %slice3A_120 = vector.extract_strided_slice %transpose3A {offsets = [0, 3840], sizes = [64, 256], strides = [1, 1]} : vector<128x4096xf32> to vector<64x256xf32>
    %swap3A_121 = arith.constant 0 : index
    %swap3A_122 = arith.constant 7680 : index
    %swap3A_123 = vector.load %arg2[%swap3A_121, %swap3A_122] : memref<64x8192xf32, #tpu.memory_space<vmem>>, vector<64x256xf32>
    tpu.vector_store %arg2[%swap3A_121, %swap3A_122], %slice3A_120 {strides = array<i32>} : memref<64x8192xf32, #tpu.memory_space<vmem>>, vector<64x256xf32>,
    %slice3A_124 = vector.extract_strided_slice %transpose3A {offsets = [64, 3840], sizes = [64, 256], strides = [1, 1]} : vector<128x4096xf32> to vector<64x256xf32>
    %swap3A_125 = arith.constant 0 : index
    %swap3A_126 = arith.constant 7936 : index
    %swap3A_127 = vector.load %arg2[%swap3A_125, %swap3A_126] : memref<64x8192xf32, #tpu.memory_space<vmem>>, vector<64x256xf32>
    tpu.vector_store %arg2[%swap3A_125, %swap3A_126], %slice3A_124 {strides = array<i32>} : memref<64x8192xf32, #tpu.memory_space<vmem>>, vector<64x256xf32>,
    return
  }
  func.func @transform_0(%arg0: i32) -> (i32, i32) {
    %c0_i32 = arith.constant 0 : i32
    %c0_i32_0 = arith.constant 0 : i32
    return %arg0, %c0_i32 : i32, i32
  }
  func.func @transform_1(%arg0: i32) -> (i32, i32) {
    %c0_i32 = arith.constant 0 : i32
    %c0_i32_0 = arith.constant 0 : i32
    return %c0_i32, %arg0 : i32, i32
  }
}

</mosaic_0001>

<sc_bundles>
// kernel: kernel.5.cloned.1.call-start
scs
__scs_entry_jumppad:
0x0: {  	(pc) =	sbr.rel $0x88, $3  }
0x1: {  	(tag) =	ssettag $0x0;
	lr =	simm.s32 $0x1  }
0x2: {  	[smem:$0x3F9D] =	sst lr;
	_ =	strace $0xD0000000  }
0x3: {  	_ = 	snop  }
0x4: {  	_ = 	snop  }
0x5: {  	_ = 	snop  }
0x6: {  	_ = 	snop  }
0x7: {  	_ = 	snop  }
__scs_overlays_trampoline_lowered:
0x8: {  	[smem:$0x3FAC] =	sst s0  }
0x9: {  	[smem:$0x3FAD] =	sst s1  }
0xa: {  	[smem:$0x3FAE] =	sst s2  }
0xb: {  	[smem:$0x3FAF] =	sst s3  }
0xc: {  	[smem:$0x3FB0] =	sst s4  }
0xd: {  	[smem:$0x3FB1] =	sst s5  }
0xe: {  	[smem:$0x3FB2] =	sst s6  }
0xf: {  	[smem:$0x3FB3] =	sst s7  }
0x10: {  	[smem:$0x3FB4] =	sst s8  }
0x11: {  	[smem:$0x3FB5] =	sst s9;
	s0 =	simm.s32 @!p0 $0x0  }
0x12: {  	s1 =	sld [smem:$0x3F9B];
	s0 =	simm.s32 @p0 $0x1  }
0x13: {  	[smem:$0x3FB6] =	sst s0;
	s0 =	simm.s32 @!p1 $0x0  }
0x14: {  	s2 =	sld [smem:$0x3F9A];
	s0 =	simm.s32 @p1 $0x1  }
0x15: {  	[smem:$0x3FB7] =	sst s0;
	s0 =	simm.s32 @!p2 $0x0  }
0x16: {  	s3 =	sld [smem:$0x3FDB];
	s0 =	simm.s32 @p2 $0x1  }
0x17: {  	s4 =	simm.s32 $0x1BF5;
	[smem:$0x3FB9] =	sst s0  }
0x18: {  	s0 =	sld [smem:$0x3F9C];
	_ =	swait.ge [sflag:s4], $0x0  }
0x19: {  	s7 =	sld [smem:$0x3F9D]  }
0x1a: {  	s8 =	sadd.s32 $0xFFFFE003, lr  }
0x1b: {  	s9 =	sadd.s32 $0xFFFFFEF7, lr;
	s5 =	simm.s32 $0xFFFFFFFF;
	p2 =	slt.u32 s8, $0xFFFFF086  }
0x1c: {  	p1 =	slt.u32 s9, $0xF7A;
	s5 =	simm.s32 @!p2 $0x0  }
0x1d: {  	s5 =	simm.s32 @p1 $0x1;
	p0 =	seq.s32 s7, s2  }
0x1e: {  	s7 =	smul.u32 @!p0 $0xF7A, s2;
	p2 =	seq.s32 @!p0 s5, $0x0  }
0x1f: {  	s9 =	smul.u32 $0xF7A, s1;
	s8 =	simm.s32 @!p0 $0x1BF5;
	p2 =	por !p2, p0  }
0x20: {  	[sflag:s8] =	ssyncset.s32 @!p0 $0xFFFFF086;
	s6 =	sadd.s32 @!p0 s3, s7;
	s7 =	simm.s32 @!p0 $0x108  }
0x21: {  	s3 =	sadd.s32 s3, s9;
	s6 =	sadd.s32 @!p0 $0x88, s6;
	s7 =	simm.s32 @p2 $0x1082  }
0x22: {  	[simem:s7], [sflag:s8] =	dma.local @!p0 [hbm:s6], $0xF7A  }
0x23: {  	s9 =	sor.u32 $0xD0000000, s2;
	s6 =	simm.s32 $0x108;
	_ =	swait.ge @!p0 [sflag:s8], $0x0  }
0x24: {  	s3 =	sadd.s32 $0x88, s3;
	s6 =	simm.s32 @!p1 $0x1082;
	[sflag:s4] =	ssyncset.s32 $0xFFFFF086  }
0x25: {  	[simem:s6], [sflag:s4] =	dma.local [hbm:s3], $0xF7A  }
0x26: {  	[smem:$0x3F9D] =	sst s1;
	(tag) =	ssettag s2;
	_ =	strace s9  }
0x27: {  	s1 =	sld [smem:$0x3FAD]  }
0x28: {  	s2 =	sld [smem:$0x3FAE]  }
0x29: {  	s4 =	sld [smem:$0x3FB0]  }
0x2a: {  	p0 =	seq.s32 s5, $0x0;
	s5 =	sld [smem:$0x3FB1]  }
0x2b: {  	s6 =	sld [smem:$0x3FB2]  }
0x2c: {  	s7 =	sld [smem:$0x3FB3]  }
0x2d: {  	s3 =	simm.s32 $0x108;
	s8 =	sld [smem:$0x3FB4]  }
0x2e: {  	s3 =	simm.s32 @!p0 $0x1082;
	s9 =	sld [smem:$0x3FB5]  }
0x2f: {  	lr =	sadd.s32 s0, s3;
	s0 =	sld [smem:$0x3FAC]  }
0x30: {  	s3 =	sld [smem:$0x3FAF]  }
0x31: {  	[smem:$0x3FB8] =	sst s10  }
0x32: {  	s10 =	sld [smem:$0x3FB6];
	_ =	sdelay $0x3  }
0x33: {  	p0 =	seq.s32 s10, $0x1;
	s10 =	sld [smem:$0x3FB8];
	_ =	sdelay $0x3  }
0x34: {  	[smem:$0x3FB8] =	sst s10  }
0x35: {  	s10 =	sld [smem:$0x3FB7];
	_ =	sdelay $0x3  }
0x36: {  	p1 =	seq.s32 s10, $0x1;
	s10 =	sld [smem:$0x3FB8];
	_ =	sdelay $0x3  }
0x37: {  	[smem:$0x3FB8] =	sst s10  }
0x38: {  	s10 =	sld [smem:$0x3FB9]  }
0x39: {  	_ = 	snop;
	(pc) =	sbr.ind lr, $3  }
0x3a: {  	_ = 	snop  }
0x3b: {  	_ = 	snop  }
0x3c: {  	p2 =	seq.s32 s10, $0x1;
	s10 =	sld [smem:$0x3FB8]  }
0x3d: {  	_ =	shalt  }
0x3e: {  	_ =	shalt  }
0x3f: {  	_ =	shalt  }
0x40: {  	_ =	shalt  }
0x41: {  	_ =	shalt  }
0x42: {  	_ =	shalt  }
0x43: {  	_ =	shalt  }
0x44: {  	_ =	shalt  }
0x45: {  	_ =	shalt  }
0x46: {  	_ =	shalt  }
0x47: {  	_ =	shalt  }
0x48: {  	_ =	shalt  }
0x49: {  	_ =	shalt  }
0x4a: {  	_ =	shalt  }
0x4b: {  	_ =	shalt  }
0x4c: {  	_ =	shalt  }
0x4d: {  	_ =	shalt  }
0x4e: {  	_ =	shalt  }
0x4f: {  	_ =	shalt  }
0x50: {  	_ =	shalt  }
0x51: {  	_ =	shalt  }
0x52: {  	_ =	shalt  }
0x53: {  	_ =	shalt  }
0x54: {  	_ =	shalt  }
0x55: {  	_ =	shalt  }
0x56: {  	_ =	shalt  }
0x57: {  	_ =	shalt  }
0x58: {  	_ =	shalt  }
0x59: {  	_ =	shalt  }
0x5a: {  	_ =	shalt  }
0x5b: {  	_ =	shalt  }
0x5c: {  	_ =	shalt  }
0x5d: {  	_ =	shalt  }
0x5e: {  	_ =	shalt  }
0x5f: {  	_ =	shalt  }
0x60: {  	_ =	shalt  }
0x61: {  	_ =	shalt  }
0x62: {  	_ =	shalt  }
0x63: {  	_ =	shalt  }
0x64: {  	_ =	shalt  }
0x65: {  	_ =	shalt  }
0x66: {  	_ =	shalt  }
0x67: {  	_ =	shalt  }
0x68: {  	_ =	shalt  }
0x69: {  	_ =	shalt  }
0x6a: {  	_ =	shalt  }
0x6b: {  	_ =	shalt  }
0x6c: {  	_ =	shalt  }
0x6d: {  	_ =	shalt  }
0x6e: {  	_ =	shalt  }
0x6f: {  	_ =	shalt  }
0x70: {  	_ =	shalt  }
0x71: {  	_ =	shalt  }
0x72: {  	_ =	shalt  }
0x73: {  	_ =	shalt  }
0x74: {  	_ =	shalt  }
0x75: {  	_ =	shalt  }
0x76: {  	_ =	shalt  }
0x77: {  	_ =	shalt  }
0x78: {  	_ =	shalt  }
0x79: {  	_ =	shalt  }
0x7a: {  	_ =	shalt  }
0x7b: {  	_ =	shalt  }
0x7c: {  	_ =	shalt  }
0x7d: {  	_ =	shalt  }
0x7e: {  	_ =	shalt  }
0x7f: {  	_ =	shalt  }
0x80: {  	_ =	shalt  }
0x81: {  	_ =	shalt  }
0x82: {  	_ =	shalt  }
0x83: {  	_ =	shalt  }
0x84: {  	_ =	shalt  }
0x85: {  	_ =	shalt  }
0x86: {  	_ =	shalt  }
0x87: {  	_ =	shalt  }
.Lfunc_end0:
.L_simem_size_0:
called_computation_lowered:
.L_overlay_start_0:
0x88: {  	s2 =	sld [smem:$0x3FD9]  }
0x89: {  	s3 =	sld [smem:$0x3FFE];
	_ =	sdelay $0x1  }
0x8a: {  	s1 =	srdreg.scid  }
0x8b: {  	s0 =	sand.u32 $0x1, s1  }
0x8c: {  	s17 =	sshll.u32 s0, $0xA;
	s2 =	sadd.s32 s3, s2  }
0x8d: {  	s2 =	sadd.s32 s2, s17  }
0x8e: {  	[smem:$0x3FC4] =	sst s2  }
0x8f: {  	_ = 	snop  }
0x90: {  	s2 =	sld [smem:$0x3FD0];
	(tm) =	ssettm $0x1  }
0x91: {  	s18 =	sld [smem:$0x3FFB];
	_ =	sdelay $0x3  }
0x92: {  	_ =	strace s18  }
0x93: {  	s3 =	sld [smem:$0x3FFC];
	_ =	sdelay $0x3  }
0x94: {  	_ =	strace s3  }
0x95: {  	s3 =	sld [smem:$0x3FFD];
	_ =	sdelay $0x3  }
0x96: {  	_ =	strace s3  }
0x97: {  	_ =	strace $0x8FFFFFFF  }
0x98: {  	s19 =	sld [smem:$0x3FDB];
	_ =	sdelay $0x1  }
0x99: {  	s4 =	simm.s32 $_scs_section_size  }
0x9a: {  	s5 =	simm.s32 $_size__tile_overlayer_lowered;
	s6 =	simm.s32 $_tile_overlayer_lowered  }
0x9b: {  	s22 =	simm.s32 $0x1BFF;
	s21 =	sshll.u32 s6, $0x1;
	s3 =	sadd.s32 s4, s19  }
0x9c: {  	s7 =	simm.s32 $0x0;
	s20 =	sshll.u32 s5, $0x1;
	s5 =	sadd.s32 s21, s3  }
0x9d: {  	[timem:s7], [sflag:s22] =	dma.local [hbm:s5], s20  }
0x9e: {  	_ =	swait.ge [sflag:s22], s20  }
0x9f: {  	s4 =	ssub.s32 $0x0, s20;
	[sflag:s22] =	ssyncset.done $0x0  }
0xa0: {  	[sflag:s22] =	ssyncadd.s32 s4;
	_ =	sdelay $0x1  }
0xa1: {  	s23 =	simm.s32 $0x1B8B  }
0xa2: {  	_ =	swait.ge [sflag:s23], $0x1  }
0xa3: {  	[sflag:s23] =	ssyncset.done $0x0  }
0xa4: {  	s25 =	simm.s32 $0x1B8E;
	s24 =	sld [smem:$0x3FFE];
	[sflag:s23] =	ssyncadd.s32 $0xFFFFFFFF  }
0xa5: {  	s26 =	simm.s32 $execute0_lowered;
	[smem:$0x3FD2] =	sst s25  }
0xa6: {  	s5 =	sshll.u32 s26, $0x1;
	_ =	strace $0x80000046;
	[dreg:$0x1] =	wrdreg $0xFFFFFFFF  }
0xa7: {  	s28 =	simm.s32 $_size_execute0_lowered;
	s3 =	sadd.s32 s3, s5;
	[dreg:$0x0] =	wrdreg $0x0  }
0xa8: {  	s5 =	sshll.u32 s28, $0x1;
	[dreg:$0x2] =	wrdreg s3  }
0xa9: {  	[dreg:$0x3] =	wrdreg s5  }
0xaa: {  	[dreg:$0x4] =	wrdreg $0xC0  }
0xab: {  	_ =	task [dreg:s7], $0x5FFFF  }
0xac: {  	[dreg:$0x1] =	wrdreg $0xFFFFFFFF  }
0xad: {  	[dreg:$0x0] =	wrdreg $0x60  }
0xae: {  	[dreg:$0x2] =	wrdreg s24  }
0xaf: {  	[dreg:$0x3] =	wrdreg s2  }
0xb0: {  	[dreg:$0x4] =	wrdreg $0x9  }
0xb1: {  	_ =	task.clear_ibuf [dreg:s7], $0x5FFFF;
	_ =	strace $0x90000046  }
0xb2: {  	s29 =	simm.s32 $0x9;
	_ =	strace $0x80000048  }
0xb3: {  	_ =	swait.ge [sflag:s29], $0x1  }
0xb4: {  	[sflag:s29] =	ssyncadd.s32 $0xFFFFFFFF  }
0xb5: {  	_ =	strace $0x90000048  }
0xb6: {  	_ =	sfence  }
0xb7: {  	s30 =	sld [smem:$0x0];
	_ =	sdelay $0x2  }
0xb8: {  	s31 =	sshll.u32 s1, $0xD;
	s1 =	sshrl.u32 s1, $0x2  }
0xb9: {  	s3 =	sand.u32 $0x4000, s31;
	s1 =	sadd.s32 s1, s30  }
0xba: {  	s0 =	sor.u32 s3, s0;
	s1 =	sshll.u32 s1, $0x11  }
0xbb: {  	s0 =	sor.u32 s1, s0  }
0xbc: {  	s0 =	sadd.s32 $0x8F2B, s0  }
0xbd: {  	[sflag:s0] =	ssyncadd.remote.s32 $0x1  }
0xbe: {  	_ =	sfence.sel $0xFFFF  }
0xbf: {  	[dreg:$0x0] =	wrdreg $0xFFFFFFFF;
	(pc) =	sbr.abs _section_cstart, $3  }
0xc0: {  	[dreg:$0x1] =	wrdreg $0xFFFFFFFF  }
0xc1: {  	_ =	task.clear_ibuf [dreg:s7], $0x2FFFF;
	_ =	strace $0x9FFFFFFF  }
0xc2: {  	(tm) =	ssettm $0x7FFFFFFF  }
0xc3: {  	_ =	shalt  }
tec
execute0_lowered:
.L_overlay_start_1:
0x0: {  	(tag) =	ssettag $0x1  }
0x1: {  	s1 =	srdreg.scid;
	s0 =	stileid.u32  }
0x2: {  	s5 =	rddreg [dreg:$0x0];
	s14 =	sand.u32 $0x1, s1;
	s29 =	sshll.u32 s0, $0x1  }
0x3: {  	s15 =	rddreg [dreg:$0x1];
	s16 =	sor.u32 s14, s29  }
0x4: {  	s2 =	simm.s32 $0x0;
	s1 =	rddreg [dreg:$0x2];
	s3 =	sshll.u32 s16, $0x6  }
0x5: {  	[smem:$0x7FF] =	sst s2;
	s3 =	sadd.s32 s3, s5  }
0x6: {  	_ =	strace $0x80000047;
	s4 =	sadd.s32 $0x81000, s3;
	s3 =	simm.s32 $0x2  }
0x7: {  	[tilespmem:s2], [sflag:$0x2] =	stream.linear.gather [hbm4b:s4+s2], $0x200, $0x38;
	[tilespmem:$0x8200] =	vst v63  }
0x8: {  	_ =	swait.ge [sflag:s3], $0x200  }
0x9: {  	s6 =	simm.s32 $0x80;
	[sflag:s3] =	ssyncset.done $0x0  }
0xa: {  	s7 =	simm.s32 $0x200;
	s5 =	sadd.s32 $0x1000, s5;
	[sflag:s3] =	ssyncadd.s32 $0xFFFFFE00  }
0xb: {  	[tilespmem:s7], [sflag:$0x1] =	stream.indirect.gather [hbm4b:s5+s6], $0x40, s2, s6, $0xb8;
	[tilespmem:$0x8200] =	vst v63  }
0xc: {  	s8 =	simm.s32 $0x2200  }
0xd: {  	[tilespmem:s8], [sflag:$0x1] =	stream.indirect.gather [hbm4b:s5+s6], $0x40, s6, s6, $0xb8;
	[tilespmem:$0x8200] =	vst v63  }
0xe: {  	s9 =	simm.s32 $0x100;
	s10 =	simm.s32 $0x4200  }
0xf: {  	[tilespmem:s10], [sflag:$0x1] =	stream.indirect.gather [hbm4b:s5+s6], $0x40, s9, s6, $0xb8;
	[tilespmem:$0x8200] =	vst v63  }
0x10: {  	s11 =	simm.s32 $0x180;
	s12 =	simm.s32 $0x6200;
	s13 =	simm.s32 $0x1  }
0x11: {  	[tilespmem:s12], [sflag:$0x1] =	stream.indirect.gather [hbm4b:s5+s6], $0x40, s11, s6, $0xb8;
	[tilespmem:$0x8200] =	vst v63  }
0x12: {  	_ =	swait.ge [sflag:s13], $0x2000  }
0x13: {  	[sflag:s13] =	ssyncset.done $0x0  }
0x14: {  	[sflag:s13] =	ssyncadd.s32 $0xFFFFE000  }
0x15: {  	_ =	swait.ge [sflag:s13], $0x2000  }
0x16: {  	[sflag:s13] =	ssyncset.done $0x0  }
0x17: {  	[sflag:s13] =	ssyncadd.s32 $0xFFFFE000  }
0x18: {  	_ =	swait.ge [sflag:s13], $0x2000  }
0x19: {  	[sflag:s13] =	ssyncset.done $0x0  }
0x1a: {  	s17 =	ssub.s32 $0x2, s14;
	[sflag:s13] =	ssyncadd.s32 $0xFFFFE000  }
0x1b: {  	s30 =	sshll.u32 s16, $0xC;
	s31 =	sshrl.u32 s17, $0x1;
	_ =	swait.ge [sflag:s13], $0x2000  }
0x1c: {  	s14 =	sadd.s32 s15, s30;
	s17 =	ssub.s32 s17, s31;
	[sflag:s13] =	ssyncset.done $0x0  }
0x1d: {  	s15 =	simm.s32 $0x40;
	s17 =	smax.u32 s17, $0x1;
	[sflag:s13] =	ssyncadd.s32 $0xFFFFE000  }
0x1e: {  	[hbm4b:s14+s15] =	stream.strided.scatter [tilespmem:s7], [sflag:$0x2], $0x4000, s6, s15, $0x38;
	[tilespmem:$0x8200] =	vst v63  }
0x1f: {  	p0 =	sne.s32 s17, $0x1;
	_ =	swait.ge [sflag:s3], $0x4000  }
.Ltmp0:
0x20: {  	[sflag:s3] =	ssyncset.done $0x0;
	(pc) =	sbr.rel @!p0 .LBB2_2-.Ltmp0, $4  }
0x21: {  	s16 =	sadd.s32 $0x8, s14;
	[sflag:s3] =	ssyncadd.s32 $0xFFFFC000  }
0x22: {  	[hbm4b:s16+s15] =	stream.strided.scatter [tilespmem:s10], [sflag:$0x2], $0x4000, s6, s15, $0x38;
	[tilespmem:$0x8200] =	vst v63  }
0x23: {  	_ =	swait.ge [sflag:s3], $0x4000  }
0x24: {  	s17 =	sadd.s32 $0xFFFFFFFF, s17;
	[sflag:s3] =	ssyncset.done $0x0  }
.LBB2_1:
0x25: {  	p0 =	sne.s32 s17, $0x1;
	s17 =	sadd.s32 $0xFFFFFFFF, s17;
	[sflag:s3] =	ssyncadd.s32 $0xFFFFC000  }
0x26: {  	[tilespmem:s2], [sflag:$0x2] =	stream.linear.gather [hbm4b:s4+s2], $0x200, $0x38;
	[tilespmem:$0x8200] =	vst v63  }
0x27: {  	_ =	swait.ge [sflag:s3], $0x200  }
0x28: {  	[sflag:s3] =	ssyncset.done $0x0  }
0x29: {  	[sflag:s3] =	ssyncadd.s32 $0xFFFFFE00  }
0x2a: {  	[tilespmem:s7], [sflag:$0x1] =	stream.indirect.gather [hbm4b:s5+s6], $0x40, s2, s6, $0xb8;
	[tilespmem:$0x8200] =	vst v63  }
0x2b: {  	_ = 	snop  }
0x2c: {  	[tilespmem:s8], [sflag:$0x1] =	stream.indirect.gather [hbm4b:s5+s6], $0x40, s6, s6, $0xb8;
	[tilespmem:$0x8200] =	vst v63  }
0x2d: {  	_ = 	snop  }
0x2e: {  	[tilespmem:s10], [sflag:$0x1] =	stream.indirect.gather [hbm4b:s5+s6], $0x40, s9, s6, $0xb8;
	[tilespmem:$0x8200] =	vst v63  }
0x2f: {  	_ = 	snop  }
0x30: {  	[tilespmem:s12], [sflag:$0x1] =	stream.indirect.gather [hbm4b:s5+s6], $0x40, s11, s6, $0xb8;
	[tilespmem:$0x8200] =	vst v63  }
0x31: {  	_ =	swait.ge [sflag:s13], $0x2000  }
0x32: {  	[sflag:s13] =	ssyncset.done $0x0  }
0x33: {  	[sflag:s13] =	ssyncadd.s32 $0xFFFFE000  }
0x34: {  	_ =	swait.ge [sflag:s13], $0x2000  }
0x35: {  	[sflag:s13] =	ssyncset.done $0x0  }
0x36: {  	[sflag:s13] =	ssyncadd.s32 $0xFFFFE000  }
0x37: {  	_ =	swait.ge [sflag:s13], $0x2000  }
0x38: {  	[sflag:s13] =	ssyncset.done $0x0  }
0x39: {  	[sflag:s13] =	ssyncadd.s32 $0xFFFFE000  }
0x3a: {  	_ =	swait.ge [sflag:s13], $0x2000  }
0x3b: {  	[sflag:s13] =	ssyncset.done $0x0  }
0x3c: {  	[sflag:s13] =	ssyncadd.s32 $0xFFFFE000  }
0x3d: {  	[hbm4b:s14+s15] =	stream.strided.scatter [tilespmem:s7], [sflag:$0x2], $0x4000, s6, s15, $0x38;
	[tilespmem:$0x8200] =	vst v63  }
0x3e: {  	_ =	swait.ge [sflag:s3], $0x4000  }
.Ltmp1:
0x3f: {  	[sflag:s3] =	ssyncset.done $0x0;
	(pc) =	sbr.rel @p0 .LBB2_1-.Ltmp1, $4  }
0x40: {  	[sflag:s3] =	ssyncadd.s32 $0xFFFFC000  }
0x41: {  	[hbm4b:s16+s15] =	stream.strided.scatter [tilespmem:s10], [sflag:$0x2], $0x4000, s6, s15, $0x38;
	[tilespmem:$0x8200] =	vst v63  }
0x42: {  	_ =	swait.ge [sflag:s3], $0x4000  }
0x43: {  	[sflag:s3] =	ssyncset.done $0x0  }
.LBB2_2:
0x44: {  	[sflag:s3] =	ssyncadd.s32 $0xFFFFC000  }
0x45: {  	_ =	sfence.sel $0x180000  }
0x46: {  	[bflag:$0x0] =	sbarrier.arrive $0xFFFF  }
0x47: {  	p0 =	sne.s32 s0, $0x0;
	_ =	strace $0x90000047  }
0x48: {  	s0 =	sadd.s32 @!p0 $0x100000, s1;
	[bflag:$0x2] =	sbarrier.arrive $0xFFFF  }
0x49: {  	[sflag:s0] =	ssyncadd.tile.s32 @!p0 $0x1;
	_ =	shalt  }
.Lfunc_end2:
_tile_overlayer_lowered:
.L_overlay_start_2:
0x4a: {  	(tag) =	ssettag $0x2  }
0x4b: {  	s0 =	rddreg [dreg:$0x0];
	s2 =	stileid.u32  }
0x4c: {  	s1 =	rddreg [dreg:$0x1];
	p0 =	sne.s32 s2, $0x0  }
0x4d: {  	s3 =	rddreg [dreg:$0x2];
	[bflag:$0x3] =	sbarrier.arrive $0xFFFF;
	s2 =	simm.s32 @!p0 $0x1C02  }
0x4e: {  	[timem:s3], [sflag:s2] =	dma.local @!p0 [hbm:s0], s1  }
0x4f: {  	s0 =	simm.s32 @!p0 $0x2  }
0x50: {  	_ =	swait.ge @!p0 [sflag:s0], s1  }
0x51: {  	s1 =	ssub.s32 @!p0 $0x0, s1;
	[sflag:s0] =	ssyncset.done @!p0 $0x0  }
0x52: {  	[sflag:s0] =	ssyncadd.s32 @!p0 s1  }
0x53: {  	[bflag:$0x3] =	sbarrier.arrive $0xFFFF  }
0x54: {  	_ =	shalt  }

</sc_bundles>
